<compile_context>
chip_gen: v7x
topology: tpu7x:2x2x1
jax: 0.10.2.dev20260603
libtpu: 0.0.44.dev20260713+nightly
codegen_flags: <defaults>
</compile_context>

<pallas_src>
import functools

import jax
import jax.numpy as jnp
from jax import lax
from jax.experimental import pallas as pl
from jax.experimental.pallas import tpu as pltpu
from jax.experimental.pallas import tpu_sc as plsc

_N_IN = 128
_N_OUT = 256
_E = 160000
_NC, _NS, _L = 2, 16, 16
_NW = _NC * _NS
_CHUNK = 128
_ROWS = 40
_EPT = _ROWS * _CHUNK
_E_PAD = _NW * _EPT
_ACC = _N_OUT * _N_IN


def _sc_build_w(src_hbm, dst_hbm, w_hbm, out_hbm,
                src_v, dst_v, w_v, acc_v, sem0, sem1, sem2):
    c = lax.axis_index("c")
    s = lax.axis_index("s")
    gwid = c * _NS + s

    cp0 = pltpu.async_copy(src_hbm.at[gwid], src_v, sem0)
    cp1 = pltpu.async_copy(dst_hbm.at[gwid], dst_v, sem1)
    cp2 = pltpu.async_copy(w_hbm.at[gwid], w_v, sem2)

    def zero_body(i, carry):
        acc_v[pl.ds(i * _L, _L)] = jnp.zeros((_L,), jnp.float32)
        return carry
    lax.fori_loop(0, _ACC // _L, zero_body, 0)

    cp0.wait()
    cp1.wait()
    cp2.wait()

    def edge_body(j, carry):
        for k in range(_CHUNK // _L):
            sl = pl.ds(k * _L, _L)
            sv = src_v[j, sl]
            dv = dst_v[j, sl]
            wv = w_v[j, sl]
            valid = (sv < _N_IN) & (dv < _N_OUT)
            idx = dv * _N_IN + sv
            plsc.addupdate_scatter(acc_v, [idx], wv, mask=valid)
        return carry
    lax.fori_loop(0, _ROWS, edge_body, 0)

    pltpu.sync_copy(acc_v, out_hbm.at[gwid])


_sc_kernel = functools.partial(
    pl.kernel,
    out_type=jax.ShapeDtypeStruct((_NW, _ACC), jnp.float32),
    mesh=plsc.VectorSubcoreMesh(core_axis_name="c", subcore_axis_name="s",
                                num_cores=_NC, num_subcores=_NS),
    compiler_params=pltpu.CompilerParams(needs_layout_passes=False),
    scratch_types=[
        pltpu.VMEM((_ROWS, _CHUNK), jnp.int32),
        pltpu.VMEM((_ROWS, _CHUNK), jnp.int32),
        pltpu.VMEM((_ROWS, _CHUNK), jnp.float32),
        pltpu.VMEM((_ACC,), jnp.float32),
        pltpu.SemaphoreType.DMA,
        pltpu.SemaphoreType.DMA,
        pltpu.SemaphoreType.DMA,
    ],
)(_sc_build_w)


def _tc_body(x_ref, wp_ref, b_ref, r_ref, o_ref):
    w = jnp.sum(wp_ref[...], axis=0)
    agg = lax.dot_general(x_ref[...], w, (((1,), (1,)), ((), ())),
                          preferred_element_type=jnp.float32,
                          precision=lax.Precision.HIGHEST)
    o_ref[...] = jnp.tanh(b_ref[...] + r_ref[...] * agg)


def kernel(inputs, weights, biases, responses, edge_src, edge_dst):
    batch = inputs.shape[0]
    pad = _E_PAD - _E
    src_p = jnp.concatenate(
        [edge_src, jnp.zeros((pad,), jnp.int32)]).reshape(_NW, _ROWS, _CHUNK)
    dst_p = jnp.concatenate(
        [edge_dst, jnp.full((pad,), _N_OUT, jnp.int32)]).reshape(_NW, _ROWS, _CHUNK)
    w_p = jnp.concatenate(
        [weights, jnp.zeros((pad,), jnp.float32)]).reshape(_NW, _ROWS, _CHUNK)

    wp = _sc_kernel(src_p, dst_p, w_p).reshape(_NW, _N_OUT, _N_IN)

    out = pl.pallas_call(
        _tc_body,
        out_shape=jax.ShapeDtypeStruct((batch, _N_OUT), jnp.float32),
    )(inputs, wp, biases[:_N_OUT].reshape(1, _N_OUT),
      responses[:_N_OUT].reshape(1, _N_OUT))
    return out

# --- scband reference (transcript-rebuilt; emitter-appended) ---
"""Pipeline reference for scband-recurrent-network-agg-32246614458490 (READ-ONLY COPY).

The authoritative reference and input builder live on the scoring server;
editing this copy changes nothing except your own understanding.
"""

import jax, jax.numpy as jnp
import numpy as np

N_IN = 128
N_OUT = 256
N_HIDDEN = 9744
N_NODES = N_OUT + N_HIDDEN
N_EDGES = 160000
BATCH = 256


def setup_inputs(seed: int = 0) -> dict:
    key = jax.random.key(seed)
    k1, k2, k3, k4, k5 = jax.random.split(key, 5)
    inputs = jax.random.normal(k1, (BATCH, N_IN), dtype=jnp.float32)
    # connection list: src id in [0, N_IN) means input neuron (negative id in torch),
    # src id in [N_IN, N_IN+N_NODES) means recurrent connection from a neuron.
    edge_src = jax.random.randint(k2, (N_EDGES,), 0, N_IN + N_NODES, dtype=jnp.int32)
    edge_dst = jax.random.randint(k3, (N_EDGES,), 0, N_NODES, dtype=jnp.int32)
    weights = jax.random.normal(k4, (N_EDGES,), dtype=jnp.float32) * 0.1
    biases = jax.random.normal(k5, (N_NODES,), dtype=jnp.float32) * 0.1
    responses = jnp.ones((N_NODES,), dtype=jnp.float32)
    return {"inputs": inputs, "weights": weights, "biases": biases,
            "responses": responses, "edge_src": edge_src, "edge_dst": edge_dst}


def reference(inputs, weights, biases, responses, edge_src, edge_dst):
    # Faithful vectorization of RecurrentNetworkAgg.forward with one pass of
    # activate(): node_activs starts at zeros; per neuron output is
    # activation(bias + response * aggregation(weight_i * src_activ_i)) with
    # tanh activation and sum aggregation for every neuron.
    batch = inputs.shape[0]
    node_activs = jnp.zeros((batch, N_NODES), dtype=inputs.dtype)
    # (N_IN + N_NODES, batch): column j of torch's per-neuron vstack, all sources
    all_src = jnp.concatenate([inputs, node_activs], axis=1).T
    # gather source activations per connection and scale by connection weight
    msgs = jnp.take(all_src, edge_src, axis=0) * weights[:, None]  # (E, batch)
    # sum aggregation over incoming connections of each destination neuron
    agg = jax.ops.segment_sum(msgs, edge_dst, num_segments=N_NODES)  # (N_NODES, batch)
    out = jnp.tanh(biases[:, None] + responses[:, None] * agg).T  # (batch, N_NODES)
    # neuron_key2idx orders outputs first, so output neurons are columns [0, N_OUT)
    return out[:, :N_OUT]

if __name__ == "__main__":
    import jax
    _d = setup_inputs()
    print(jax.jit(kernel)(*tuple(_d.values())))

</pallas_src>

<mosaic_0001>
#map = affine_map<(d0, d1) -> (0, 0, 0)>
#map1 = affine_map<(d0, d1) -> (0, 0)>
module attributes {stable_mosaic.version = 14 : i64} {
  func.func @_sc_build_w(%arg0: i32, %arg1: i32, %arg2: memref<32x40x128xi32, #tpu.memory_space<hbm>>, %arg3: memref<32x40x128xi32, #tpu.memory_space<hbm>>, %arg4: memref<32x40x128xf32, #tpu.memory_space<hbm>>, %arg5: memref<32x32768xf32, #tpu.memory_space<hbm>>, %arg6: memref<40x128xi32, #tpu.memory_space<vmem>>, %arg7: memref<40x128xi32, #tpu.memory_space<vmem>>, %arg8: memref<40x128xf32, #tpu.memory_space<vmem>>, %arg9: memref<32768xf32, #tpu.memory_space<vmem>>, %arg10: memref<!tpu.dma_semaphore, #tpu.memory_space<semaphore_mem>>, %arg11: memref<!tpu.dma_semaphore, #tpu.memory_space<semaphore_mem>>, %arg12: memref<!tpu.dma_semaphore, #tpu.memory_space<semaphore_mem>>) attributes {dimension_semantics = [#tpu.dimension_semantics<core_parallel>, #tpu.dimension_semantics<subcore_parallel>], iteration_bounds = array<i64: 2, 16>, scalar_prefetch = 0 : i64, scratch_operands = 7 : i64, tpu.core_type = #tpu.core_type<sc_vector_subcore>, window_params = [{transform_indices = #map}, {transform_indices = #map}, {transform_indices = #map}, {transform_indices = #map1}]} {
    %mul3A = arith.constant 16 : i32
    %mul3A_0 = arith.muli %arg0, %mul3A : i32
    %add3A = arith.addi %mul3A_0, %arg1 : i32
    %dma_start3A = arith.constant 0 : i32
    %dma_start3A_1 = arith.constant 0 : i32
    %dma_start3A_2 = tpu.memref_slice %arg2[%add3A, %dma_start3A, %dma_start3A_1] : memref<32x40x128xi32, #tpu.memory_space<hbm>> -> memref<1x40x128xi32, #tpu.memory_space<hbm>>
    %dma_start3A_3 = tpu.memref_squeeze %dma_start3A_2 : memref<1x40x128xi32, #tpu.memory_space<hbm>> -> memref<40x128xi32, #tpu.memory_space<hbm>>
    %dma_start3A_4 = arith.constant 0 : i32
    %dma_start3A_5 = arith.constant 0 : i32
    %dma_start3A_6 = tpu.memref_slice %arg2[%add3A, %dma_start3A_4, %dma_start3A_5] : memref<32x40x128xi32, #tpu.memory_space<hbm>> -> memref<1x40x128xi32, #tpu.memory_space<hbm>>
    %dma_start3A_7 = tpu.memref_squeeze %dma_start3A_6 : memref<1x40x128xi32, #tpu.memory_space<hbm>> -> memref<40x128xi32, #tpu.memory_space<hbm>>
    tpu.enqueue_dma source(%dma_start3A_7 : memref<40x128xi32, #tpu.memory_space<hbm>>) target(%arg6 : memref<40x128xi32, #tpu.memory_space<vmem>>) target_semaphore(%arg10 : memref<!tpu.dma_semaphore, #tpu.memory_space<semaphore_mem>>)
    %dma_start3A_8 = arith.constant 0 : i32
    %dma_start3A_9 = arith.constant 0 : i32
    %dma_start3A_10 = tpu.memref_slice %arg3[%add3A, %dma_start3A_8, %dma_start3A_9] : memref<32x40x128xi32, #tpu.memory_space<hbm>> -> memref<1x40x128xi32, #tpu.memory_space<hbm>>
    %dma_start3A_11 = tpu.memref_squeeze %dma_start3A_10 : memref<1x40x128xi32, #tpu.memory_space<hbm>> -> memref<40x128xi32, #tpu.memory_space<hbm>>
    %dma_start3A_12 = arith.constant 0 : i32
    %dma_start3A_13 = arith.constant 0 : i32
    %dma_start3A_14 = tpu.memref_slice %arg3[%add3A, %dma_start3A_12, %dma_start3A_13] : memref<32x40x128xi32, #tpu.memory_space<hbm>> -> memref<1x40x128xi32, #tpu.memory_space<hbm>>
    %dma_start3A_15 = tpu.memref_squeeze %dma_start3A_14 : memref<1x40x128xi32, #tpu.memory_space<hbm>> -> memref<40x128xi32, #tpu.memory_space<hbm>>
    tpu.enqueue_dma source(%dma_start3A_15 : memref<40x128xi32, #tpu.memory_space<hbm>>) target(%arg7 : memref<40x128xi32, #tpu.memory_space<vmem>>) target_semaphore(%arg11 : memref<!tpu.dma_semaphore, #tpu.memory_space<semaphore_mem>>)
    %dma_start3A_16 = arith.constant 0 : i32
    %dma_start3A_17 = arith.constant 0 : i32
    %dma_start3A_18 = tpu.memref_slice %arg4[%add3A, %dma_start3A_16, %dma_start3A_17] : memref<32x40x128xf32, #tpu.memory_space<hbm>> -> memref<1x40x128xf32, #tpu.memory_space<hbm>>
    %dma_start3A_19 = tpu.memref_squeeze %dma_start3A_18 : memref<1x40x128xf32, #tpu.memory_space<hbm>> -> memref<40x128xf32, #tpu.memory_space<hbm>>
    %dma_start3A_20 = arith.constant 0 : i32
    %dma_start3A_21 = arith.constant 0 : i32
    %dma_start3A_22 = tpu.memref_slice %arg4[%add3A, %dma_start3A_20, %dma_start3A_21] : memref<32x40x128xf32, #tpu.memory_space<hbm>> -> memref<1x40x128xf32, #tpu.memory_space<hbm>>
    %dma_start3A_23 = tpu.memref_squeeze %dma_start3A_22 : memref<1x40x128xf32, #tpu.memory_space<hbm>> -> memref<40x128xf32, #tpu.memory_space<hbm>>
    tpu.enqueue_dma source(%dma_start3A_23 : memref<40x128xf32, #tpu.memory_space<hbm>>) target(%arg8 : memref<40x128xf32, #tpu.memory_space<vmem>>) target_semaphore(%arg12 : memref<!tpu.dma_semaphore, #tpu.memory_space<semaphore_mem>>)
    %scan3A = arith.constant 0 : i32
    %scan3A_24 = arith.constant 0 : i32
    %scan3A_25 = arith.constant 2048 : i32
    %scan3A_26 = arith.addi %scan3A_24, %scan3A_25 : i32
    %scan3A_27 = arith.constant 1 : i32
    scf.for %scan3A_58 = %scan3A_24 to %scan3A_26 step %scan3A_27  : i32 {
      %broadcast_in_dim3A = arith.constant 0.000000e+00 : f32
      %broadcast_in_dim3A_59 = vector.broadcast %broadcast_in_dim3A : f32 to vector<16xf32>
      %mul3A_60 = arith.constant 16 : i32
      %mul3A_61 = arith.muli %scan3A_58, %mul3A_60 : i32
      %swap3A = arith.index_cast %mul3A_61 : i32 to index
      %swap3A_62 = tpu.vector_load %arg9[%swap3A] {strides = array<i32>} : memref<32768xf32, #tpu.memory_space<vmem>>, vector<16xf32>,
      tpu.vector_store %arg9[%swap3A], %broadcast_in_dim3A_59 {strides = array<i32>} : memref<32768xf32, #tpu.memory_space<vmem>>, vector<16xf32>,
    }
    %scan3A_28 = arith.constant 2048 : i32
    %dma_wait3A = arith.constant 0 : i32
    %dma_wait3A_29 = arith.constant 0 : i32
    %dma_wait3A_30 = tpu.memref_slice %arg2[%add3A, %dma_wait3A, %dma_wait3A_29] : memref<32x40x128xi32, #tpu.memory_space<hbm>> -> memref<1x40x128xi32, #tpu.memory_space<hbm>>
    %dma_wait3A_31 = tpu.memref_squeeze %dma_wait3A_30 : memref<1x40x128xi32, #tpu.memory_space<hbm>> -> memref<40x128xi32, #tpu.memory_space<hbm>>
    %dma_wait3A_32 = arith.constant 0 : i32
    %dma_wait3A_33 = arith.constant 0 : i32
    %dma_wait3A_34 = tpu.memref_slice %arg2[%add3A, %dma_wait3A_32, %dma_wait3A_33] : memref<32x40x128xi32, #tpu.memory_space<hbm>> -> memref<1x40x128xi32, #tpu.memory_space<hbm>>
    %dma_wait3A_35 = tpu.memref_squeeze %dma_wait3A_34 : memref<1x40x128xi32, #tpu.memory_space<hbm>> -> memref<40x128xi32, #tpu.memory_space<hbm>>
    tpu.wait_dma2 semaphore(%arg10 : memref<!tpu.dma_semaphore, #tpu.memory_space<semaphore_mem>>) src(%dma_wait3A_35 : memref<40x128xi32, #tpu.memory_space<hbm>>) dst(%arg6 : memref<40x128xi32, #tpu.memory_space<vmem>>)
    %dma_wait3A_36 = arith.constant 0 : i32
    %dma_wait3A_37 = arith.constant 0 : i32
    %dma_wait3A_38 = tpu.memref_slice %arg3[%add3A, %dma_wait3A_36, %dma_wait3A_37] : memref<32x40x128xi32, #tpu.memory_space<hbm>> -> memref<1x40x128xi32, #tpu.memory_space<hbm>>
    %dma_wait3A_39 = tpu.memref_squeeze %dma_wait3A_38 : memref<1x40x128xi32, #tpu.memory_space<hbm>> -> memref<40x128xi32, #tpu.memory_space<hbm>>
    %dma_wait3A_40 = arith.constant 0 : i32
    %dma_wait3A_41 = arith.constant 0 : i32
    %dma_wait3A_42 = tpu.memref_slice %arg3[%add3A, %dma_wait3A_40, %dma_wait3A_41] : memref<32x40x128xi32, #tpu.memory_space<hbm>> -> memref<1x40x128xi32, #tpu.memory_space<hbm>>
    %dma_wait3A_43 = tpu.memref_squeeze %dma_wait3A_42 : memref<1x40x128xi32, #tpu.memory_space<hbm>> -> memref<40x128xi32, #tpu.memory_space<hbm>>
    tpu.wait_dma2 semaphore(%arg11 : memref<!tpu.dma_semaphore, #tpu.memory_space<semaphore_mem>>) src(%dma_wait3A_43 : memref<40x128xi32, #tpu.memory_space<hbm>>) dst(%arg7 : memref<40x128xi32, #tpu.memory_space<vmem>>)
    %dma_wait3A_44 = arith.constant 0 : i32
    %dma_wait3A_45 = arith.constant 0 : i32
    %dma_wait3A_46 = tpu.memref_slice %arg4[%add3A, %dma_wait3A_44, %dma_wait3A_45] : memref<32x40x128xf32, #tpu.memory_space<hbm>> -> memref<1x40x128xf32, #tpu.memory_space<hbm>>
    %dma_wait3A_47 = tpu.memref_squeeze %dma_wait3A_46 : memref<1x40x128xf32, #tpu.memory_space<hbm>> -> memref<40x128xf32, #tpu.memory_space<hbm>>
    %dma_wait3A_48 = arith.constant 0 : i32
    %dma_wait3A_49 = arith.constant 0 : i32
    %dma_wait3A_50 = tpu.memref_slice %arg4[%add3A, %dma_wait3A_48, %dma_wait3A_49] : memref<32x40x128xf32, #tpu.memory_space<hbm>> -> memref<1x40x128xf32, #tpu.memory_space<hbm>>
    %dma_wait3A_51 = tpu.memref_squeeze %dma_wait3A_50 : memref<1x40x128xf32, #tpu.memory_space<hbm>> -> memref<40x128xf32, #tpu.memory_space<hbm>>
    tpu.wait_dma2 semaphore(%arg12 : memref<!tpu.dma_semaphore, #tpu.memory_space<semaphore_mem>>) src(%dma_wait3A_51 : memref<40x128xf32, #tpu.memory_space<hbm>>) dst(%arg8 : memref<40x128xf32, #tpu.memory_space<vmem>>)
    %scan3A_52 = arith.constant 0 : i32
    %scan3A_53 = arith.constant 0 : i32
    %scan3A_54 = arith.constant 40 : i32
    %scan3A_55 = arith.addi %scan3A_53, %scan3A_54 : i32
    %scan3A_56 = arith.constant 1 : i32
    scf.for %scan3A_58 = %scan3A_53 to %scan3A_55 step %scan3A_56  : i32 {
      %get3A = arith.index_cast %scan3A_58 : i32 to index
      %get3A_59 = arith.constant 0 : index
      %get3A_60 = tpu.vector_load %arg6[%get3A, %get3A_59] {strides = array<i32>} : memref<40x128xi32, #tpu.memory_space<vmem>>, vector<16xi32>,
      %get3A_61 = arith.index_cast %scan3A_58 : i32 to index
      %get3A_62 = arith.constant 0 : index
      %get3A_63 = tpu.vector_load %arg7[%get3A_61, %get3A_62] {strides = array<i32>} : memref<40x128xi32, #tpu.memory_space<vmem>>, vector<16xi32>,
      %get3A_64 = arith.index_cast %scan3A_58 : i32 to index
      %get3A_65 = arith.constant 0 : index
      %get3A_66 = tpu.vector_load %arg8[%get3A_64, %get3A_65] {strides = array<i32>} : memref<40x128xf32, #tpu.memory_space<vmem>>, vector<16xf32>,
      %lt3A = arith.constant 128 : i32
      %lt3A_67 = vector.broadcast %lt3A : i32 to vector<16xi32>
      %lt3A_68 = arith.cmpi slt, %get3A_60, %lt3A_67 : vector<16xi32>
      %lt3A_69 = arith.constant 256 : i32
      %lt3A_70 = vector.broadcast %lt3A_69 : i32 to vector<16xi32>
      %lt3A_71 = arith.cmpi slt, %get3A_63, %lt3A_70 : vector<16xi32>
      %and3A = arith.andi %lt3A_68, %lt3A_71 : vector<16xi1>
      %mul3A_72 = arith.constant 128 : i32
      %mul3A_73 = vector.broadcast %mul3A_72 : i32 to vector<16xi32>
      %mul3A_74 = arith.muli %get3A_63, %mul3A_73 : vector<16xi32>
      %add3A_75 = arith.addi %mul3A_74, %get3A_60 : vector<16xi32>
      tpu.vector_store_idx %arg9[%add3A_75], %get3A_66 masked %and3A {add = true} : memref<32768xf32, #tpu.memory_space<vmem>>[vector<16xi32>], vector<16xf32>, vector<16xi1>
      %get3A_76 = arith.index_cast %scan3A_58 : i32 to index
      %get3A_77 = arith.constant 16 : index
      %get3A_78 = tpu.vector_load %arg6[%get3A_76, %get3A_77] {strides = array<i32>} : memref<40x128xi32, #tpu.memory_space<vmem>>, vector<16xi32>,
      %get3A_79 = arith.index_cast %scan3A_58 : i32 to index
      %get3A_80 = arith.constant 16 : index
      %get3A_81 = tpu.vector_load %arg7[%get3A_79, %get3A_80] {strides = array<i32>} : memref<40x128xi32, #tpu.memory_space<vmem>>, vector<16xi32>,
      %get3A_82 = arith.index_cast %scan3A_58 : i32 to index
      %get3A_83 = arith.constant 16 : index
      %get3A_84 = tpu.vector_load %arg8[%get3A_82, %get3A_83] {strides = array<i32>} : memref<40x128xf32, #tpu.memory_space<vmem>>, vector<16xf32>,
      %lt3A_85 = arith.constant 128 : i32
      %lt3A_86 = vector.broadcast %lt3A_85 : i32 to vector<16xi32>
      %lt3A_87 = arith.cmpi slt, %get3A_78, %lt3A_86 : vector<16xi32>
      %lt3A_88 = arith.constant 256 : i32
      %lt3A_89 = vector.broadcast %lt3A_88 : i32 to vector<16xi32>
      %lt3A_90 = arith.cmpi slt, %get3A_81, %lt3A_89 : vector<16xi32>
      %and3A_91 = arith.andi %lt3A_87, %lt3A_90 : vector<16xi1>
      %mul3A_92 = arith.constant 128 : i32
      %mul3A_93 = vector.broadcast %mul3A_92 : i32 to vector<16xi32>
      %mul3A_94 = arith.muli %get3A_81, %mul3A_93 : vector<16xi32>
      %add3A_95 = arith.addi %mul3A_94, %get3A_78 : vector<16xi32>
      tpu.vector_store_idx %arg9[%add3A_95], %get3A_84 masked %and3A_91 {add = true} : memref<32768xf32, #tpu.memory_space<vmem>>[vector<16xi32>], vector<16xf32>, vector<16xi1>
      %get3A_96 = arith.index_cast %scan3A_58 : i32 to index
      %get3A_97 = arith.constant 32 : index
      %get3A_98 = tpu.vector_load %arg6[%get3A_96, %get3A_97] {strides = array<i32>} : memref<40x128xi32, #tpu.memory_space<vmem>>, vector<16xi32>,
      %get3A_99 = arith.index_cast %scan3A_58 : i32 to index
      %get3A_100 = arith.constant 32 : index
      %get3A_101 = tpu.vector_load %arg7[%get3A_99, %get3A_100] {strides = array<i32>} : memref<40x128xi32, #tpu.memory_space<vmem>>, vector<16xi32>,
      %get3A_102 = arith.index_cast %scan3A_58 : i32 to index
      %get3A_103 = arith.constant 32 : index
      %get3A_104 = tpu.vector_load %arg8[%get3A_102, %get3A_103] {strides = array<i32>} : memref<40x128xf32, #tpu.memory_space<vmem>>, vector<16xf32>,
      %lt3A_105 = arith.constant 128 : i32
      %lt3A_106 = vector.broadcast %lt3A_105 : i32 to vector<16xi32>
      %lt3A_107 = arith.cmpi slt, %get3A_98, %lt3A_106 : vector<16xi32>
      %lt3A_108 = arith.constant 256 : i32
      %lt3A_109 = vector.broadcast %lt3A_108 : i32 to vector<16xi32>
      %lt3A_110 = arith.cmpi slt, %get3A_101, %lt3A_109 : vector<16xi32>
      %and3A_111 = arith.andi %lt3A_107, %lt3A_110 : vector<16xi1>
      %mul3A_112 = arith.constant 128 : i32
      %mul3A_113 = vector.broadcast %mul3A_112 : i32 to vector<16xi32>
      %mul3A_114 = arith.muli %get3A_101, %mul3A_113 : vector<16xi32>
      %add3A_115 = arith.addi %mul3A_114, %get3A_98 : vector<16xi32>
      tpu.vector_store_idx %arg9[%add3A_115], %get3A_104 masked %and3A_111 {add = true} : memref<32768xf32, #tpu.memory_space<vmem>>[vector<16xi32>], vector<16xf32>, vector<16xi1>
      %get3A_116 = arith.index_cast %scan3A_58 : i32 to index
      %get3A_117 = arith.constant 48 : index
      %get3A_118 = tpu.vector_load %arg6[%get3A_116, %get3A_117] {strides = array<i32>} : memref<40x128xi32, #tpu.memory_space<vmem>>, vector<16xi32>,
      %get3A_119 = arith.index_cast %scan3A_58 : i32 to index
      %get3A_120 = arith.constant 48 : index
      %get3A_121 = tpu.vector_load %arg7[%get3A_119, %get3A_120] {strides = array<i32>} : memref<40x128xi32, #tpu.memory_space<vmem>>, vector<16xi32>,
      %get3A_122 = arith.index_cast %scan3A_58 : i32 to index
      %get3A_123 = arith.constant 48 : index
      %get3A_124 = tpu.vector_load %arg8[%get3A_122, %get3A_123] {strides = array<i32>} : memref<40x128xf32, #tpu.memory_space<vmem>>, vector<16xf32>,
      %lt3A_125 = arith.constant 128 : i32
      %lt3A_126 = vector.broadcast %lt3A_125 : i32 to vector<16xi32>
      %lt3A_127 = arith.cmpi slt, %get3A_118, %lt3A_126 : vector<16xi32>
      %lt3A_128 = arith.constant 256 : i32
      %lt3A_129 = vector.broadcast %lt3A_128 : i32 to vector<16xi32>
      %lt3A_130 = arith.cmpi slt, %get3A_121, %lt3A_129 : vector<16xi32>
      %and3A_131 = arith.andi %lt3A_127, %lt3A_130 : vector<16xi1>
      %mul3A_132 = arith.constant 128 : i32
      %mul3A_133 = vector.broadcast %mul3A_132 : i32 to vector<16xi32>
      %mul3A_134 = arith.muli %get3A_121, %mul3A_133 : vector<16xi32>
      %add3A_135 = arith.addi %mul3A_134, %get3A_118 : vector<16xi32>
      tpu.vector_store_idx %arg9[%add3A_135], %get3A_124 masked %and3A_131 {add = true} : memref<32768xf32, #tpu.memory_space<vmem>>[vector<16xi32>], vector<16xf32>, vector<16xi1>
      %get3A_136 = arith.index_cast %scan3A_58 : i32 to index
      %get3A_137 = arith.constant 64 : index
      %get3A_138 = tpu.vector_load %arg6[%get3A_136, %get3A_137] {strides = array<i32>} : memref<40x128xi32, #tpu.memory_space<vmem>>, vector<16xi32>,
      %get3A_139 = arith.index_cast %scan3A_58 : i32 to index
      %get3A_140 = arith.constant 64 : index
      %get3A_141 = tpu.vector_load %arg7[%get3A_139, %get3A_140] {strides = array<i32>} : memref<40x128xi32, #tpu.memory_space<vmem>>, vector<16xi32>,
      %get3A_142 = arith.index_cast %scan3A_58 : i32 to index
      %get3A_143 = arith.constant 64 : index
      %get3A_144 = tpu.vector_load %arg8[%get3A_142, %get3A_143] {strides = array<i32>} : memref<40x128xf32, #tpu.memory_space<vmem>>, vector<16xf32>,
      %lt3A_145 = arith.constant 128 : i32
      %lt3A_146 = vector.broadcast %lt3A_145 : i32 to vector<16xi32>
      %lt3A_147 = arith.cmpi slt, %get3A_138, %lt3A_146 : vector<16xi32>
      %lt3A_148 = arith.constant 256 : i32
      %lt3A_149 = vector.broadcast %lt3A_148 : i32 to vector<16xi32>
      %lt3A_150 = arith.cmpi slt, %get3A_141, %lt3A_149 : vector<16xi32>
      %and3A_151 = arith.andi %lt3A_147, %lt3A_150 : vector<16xi1>
      %mul3A_152 = arith.constant 128 : i32
      %mul3A_153 = vector.broadcast %mul3A_152 : i32 to vector<16xi32>
      %mul3A_154 = arith.muli %get3A_141, %mul3A_153 : vector<16xi32>
      %add3A_155 = arith.addi %mul3A_154, %get3A_138 : vector<16xi32>
      tpu.vector_store_idx %arg9[%add3A_155], %get3A_144 masked %and3A_151 {add = true} : memref<32768xf32, #tpu.memory_space<vmem>>[vector<16xi32>], vector<16xf32>, vector<16xi1>
      %get3A_156 = arith.index_cast %scan3A_58 : i32 to index
      %get3A_157 = arith.constant 80 : index
      %get3A_158 = tpu.vector_load %arg6[%get3A_156, %get3A_157] {strides = array<i32>} : memref<40x128xi32, #tpu.memory_space<vmem>>, vector<16xi32>,
      %get3A_159 = arith.index_cast %scan3A_58 : i32 to index
      %get3A_160 = arith.constant 80 : index
      %get3A_161 = tpu.vector_load %arg7[%get3A_159, %get3A_160] {strides = array<i32>} : memref<40x128xi32, #tpu.memory_space<vmem>>, vector<16xi32>,
      %get3A_162 = arith.index_cast %scan3A_58 : i32 to index
      %get3A_163 = arith.constant 80 : index
      %get3A_164 = tpu.vector_load %arg8[%get3A_162, %get3A_163] {strides = array<i32>} : memref<40x128xf32, #tpu.memory_space<vmem>>, vector<16xf32>,
      %lt3A_165 = arith.constant 128 : i32
      %lt3A_166 = vector.broadcast %lt3A_165 : i32 to vector<16xi32>
      %lt3A_167 = arith.cmpi slt, %get3A_158, %lt3A_166 : vector<16xi32>
      %lt3A_168 = arith.constant 256 : i32
      %lt3A_169 = vector.broadcast %lt3A_168 : i32 to vector<16xi32>
      %lt3A_170 = arith.cmpi slt, %get3A_161, %lt3A_169 : vector<16xi32>
      %and3A_171 = arith.andi %lt3A_167, %lt3A_170 : vector<16xi1>
      %mul3A_172 = arith.constant 128 : i32
      %mul3A_173 = vector.broadcast %mul3A_172 : i32 to vector<16xi32>
      %mul3A_174 = arith.muli %get3A_161, %mul3A_173 : vector<16xi32>
      %add3A_175 = arith.addi %mul3A_174, %get3A_158 : vector<16xi32>
      tpu.vector_store_idx %arg9[%add3A_175], %get3A_164 masked %and3A_171 {add = true} : memref<32768xf32, #tpu.memory_space<vmem>>[vector<16xi32>], vector<16xf32>, vector<16xi1>
      %get3A_176 = arith.index_cast %scan3A_58 : i32 to index
      %get3A_177 = arith.constant 96 : index
      %get3A_178 = tpu.vector_load %arg6[%get3A_176, %get3A_177] {strides = array<i32>} : memref<40x128xi32, #tpu.memory_space<vmem>>, vector<16xi32>,
      %get3A_179 = arith.index_cast %scan3A_58 : i32 to index
      %get3A_180 = arith.constant 96 : index
      %get3A_181 = tpu.vector_load %arg7[%get3A_179, %get3A_180] {strides = array<i32>} : memref<40x128xi32, #tpu.memory_space<vmem>>, vector<16xi32>,
      %get3A_182 = arith.index_cast %scan3A_58 : i32 to index
      %get3A_183 = arith.constant 96 : index
      %get3A_184 = tpu.vector_load %arg8[%get3A_182, %get3A_183] {strides = array<i32>} : memref<40x128xf32, #tpu.memory_space<vmem>>, vector<16xf32>,
      %lt3A_185 = arith.constant 128 : i32
      %lt3A_186 = vector.broadcast %lt3A_185 : i32 to vector<16xi32>
      %lt3A_187 = arith.cmpi slt, %get3A_178, %lt3A_186 : vector<16xi32>
      %lt3A_188 = arith.constant 256 : i32
      %lt3A_189 = vector.broadcast %lt3A_188 : i32 to vector<16xi32>
      %lt3A_190 = arith.cmpi slt, %get3A_181, %lt3A_189 : vector<16xi32>
      %and3A_191 = arith.andi %lt3A_187, %lt3A_190 : vector<16xi1>
      %mul3A_192 = arith.constant 128 : i32
      %mul3A_193 = vector.broadcast %mul3A_192 : i32 to vector<16xi32>
      %mul3A_194 = arith.muli %get3A_181, %mul3A_193 : vector<16xi32>
      %add3A_195 = arith.addi %mul3A_194, %get3A_178 : vector<16xi32>
      tpu.vector_store_idx %arg9[%add3A_195], %get3A_184 masked %and3A_191 {add = true} : memref<32768xf32, #tpu.memory_space<vmem>>[vector<16xi32>], vector<16xf32>, vector<16xi1>
      %get3A_196 = arith.index_cast %scan3A_58 : i32 to index
      %get3A_197 = arith.constant 112 : index
      %get3A_198 = tpu.vector_load %arg6[%get3A_196, %get3A_197] {strides = array<i32>} : memref<40x128xi32, #tpu.memory_space<vmem>>, vector<16xi32>,
      %get3A_199 = arith.index_cast %scan3A_58 : i32 to index
      %get3A_200 = arith.constant 112 : index
      %get3A_201 = tpu.vector_load %arg7[%get3A_199, %get3A_200] {strides = array<i32>} : memref<40x128xi32, #tpu.memory_space<vmem>>, vector<16xi32>,
      %get3A_202 = arith.index_cast %scan3A_58 : i32 to index
      %get3A_203 = arith.constant 112 : index
      %get3A_204 = tpu.vector_load %arg8[%get3A_202, %get3A_203] {strides = array<i32>} : memref<40x128xf32, #tpu.memory_space<vmem>>, vector<16xf32>,
      %lt3A_205 = arith.constant 128 : i32
      %lt3A_206 = vector.broadcast %lt3A_205 : i32 to vector<16xi32>
      %lt3A_207 = arith.cmpi slt, %get3A_198, %lt3A_206 : vector<16xi32>
      %lt3A_208 = arith.constant 256 : i32
      %lt3A_209 = vector.broadcast %lt3A_208 : i32 to vector<16xi32>
      %lt3A_210 = arith.cmpi slt, %get3A_201, %lt3A_209 : vector<16xi32>
      %and3A_211 = arith.andi %lt3A_207, %lt3A_210 : vector<16xi1>
      %mul3A_212 = arith.constant 128 : i32
      %mul3A_213 = vector.broadcast %mul3A_212 : i32 to vector<16xi32>
      %mul3A_214 = arith.muli %get3A_201, %mul3A_213 : vector<16xi32>
      %add3A_215 = arith.addi %mul3A_214, %get3A_198 : vector<16xi32>
      tpu.vector_store_idx %arg9[%add3A_215], %get3A_204 masked %and3A_211 {add = true} : memref<32768xf32, #tpu.memory_space<vmem>>[vector<16xi32>], vector<16xf32>, vector<16xi1>
    }
    %scan3A_57 = arith.constant 40 : i32
    "tpu.region"() ({
      %run_scoped3A = tpu.sem_alloc : memref<!tpu.dma_semaphore, #tpu.memory_space<semaphore_mem>>
      %dma_start3A_58 = arith.constant 0 : i32
      %dma_start3A_59 = tpu.memref_slice %arg5[%add3A, %dma_start3A_58] : memref<32x32768xf32, #tpu.memory_space<hbm>> -> memref<1x32768xf32, #tpu.memory_space<hbm>>
      %dma_start3A_60 = tpu.memref_squeeze %dma_start3A_59 : memref<1x32768xf32, #tpu.memory_space<hbm>> -> memref<32768xf32, #tpu.memory_space<hbm>>
      %dma_start3A_61 = arith.constant 0 : i32
      %dma_start3A_62 = tpu.memref_slice %arg5[%add3A, %dma_start3A_61] : memref<32x32768xf32, #tpu.memory_space<hbm>> -> memref<1x32768xf32, #tpu.memory_space<hbm>>
      %dma_start3A_63 = tpu.memref_squeeze %dma_start3A_62 : memref<1x32768xf32, #tpu.memory_space<hbm>> -> memref<32768xf32, #tpu.memory_space<hbm>>
      tpu.enqueue_dma source(%arg9 : memref<32768xf32, #tpu.memory_space<vmem>>) target(%dma_start3A_63 : memref<32768xf32, #tpu.memory_space<hbm>>) target_semaphore(%run_scoped3A : memref<!tpu.dma_semaphore, #tpu.memory_space<semaphore_mem>>)
      %dma_wait3A_64 = arith.constant 0 : i32
      %dma_wait3A_65 = tpu.memref_slice %arg5[%add3A, %dma_wait3A_64] : memref<32x32768xf32, #tpu.memory_space<hbm>> -> memref<1x32768xf32, #tpu.memory_space<hbm>>
      %dma_wait3A_66 = tpu.memref_squeeze %dma_wait3A_65 : memref<1x32768xf32, #tpu.memory_space<hbm>> -> memref<32768xf32, #tpu.memory_space<hbm>>
      %dma_wait3A_67 = arith.constant 0 : i32
      %dma_wait3A_68 = tpu.memref_slice %arg5[%add3A, %dma_wait3A_67] : memref<32x32768xf32, #tpu.memory_space<hbm>> -> memref<1x32768xf32, #tpu.memory_space<hbm>>
      %dma_wait3A_69 = tpu.memref_squeeze %dma_wait3A_68 : memref<1x32768xf32, #tpu.memory_space<hbm>> -> memref<32768xf32, #tpu.memory_space<hbm>>
      tpu.wait_dma2 semaphore(%run_scoped3A : memref<!tpu.dma_semaphore, #tpu.memory_space<semaphore_mem>>) src(%arg9 : memref<32768xf32, #tpu.memory_space<vmem>>) dst(%dma_wait3A_69 : memref<32768xf32, #tpu.memory_space<hbm>>)
      tpu.yield
    }) : () -> ()
    return
  }
}

module attributes {stable_mosaic.version = 14 : i64} {
  func.func @_tc_body(%arg0: memref<256x128xf32, #tpu.memory_space<vmem>>, %arg1: memref<32x256x128xf32, #tpu.memory_space<vmem>>, %arg2: memref<1x256xf32, #tpu.memory_space<vmem>>, %arg3: memref<1x256xf32, #tpu.memory_space<vmem>>, %arg4: memref<256x256xf32, #tpu.memory_space<vmem>>) attributes {dimension_semantics = [], scalar_prefetch = 0 : i64, scratch_operands = 0 : i64, tpu.core_type = #tpu.core_type<tc>} {
    %get3A = arith.constant 0 : index
    %get3A_0 = arith.constant 0 : index
    %get3A_1 = arith.constant 0 : index
    %get3A_2 = vector.load %arg1[%get3A, %get3A_0, %get3A_1] : memref<32x256x128xf32, #tpu.memory_space<vmem>>, vector<32x256x128xf32>
    %reduce_sum3A = arith.constant dense<0.000000e+00> : vector<256x128xf32>
    %reduce_sum3A_3 = vector.multi_reduction <add>, %get3A_2, %reduce_sum3A [0] : vector<32x256x128xf32> to vector<256x128xf32>
    %get3A_4 = arith.constant 0 : index
    %get3A_5 = arith.constant 0 : index
    %get3A_6 = vector.load %arg0[%get3A_4, %get3A_5] : memref<256x128xf32, #tpu.memory_space<vmem>>, vector<256x128xf32>
    %dot_general3A = arith.constant dense<0.000000e+00> : vector<256x256xf32>
    %dot_general3A_7 = tpu.matmul %get3A_6, %reduce_sum3A_3, %dot_general3A {dimension_numbers = #tpu.dot_dimension_numbers<[1], [1], [0], [0], [0, 0, 1, 0], [], []>, precision = #tpu.contract_precision<fp32>, transpose_lhs_hint = false} : vector<256x128xf32>, vector<256x128xf32>, vector<256x256xf32> -> vector<256x256xf32>
    %get3A_8 = arith.constant 0 : index
    %get3A_9 = arith.constant 0 : index
    %get3A_10 = vector.load %arg2[%get3A_8, %get3A_9] : memref<1x256xf32, #tpu.memory_space<vmem>>, vector<1x256xf32>
    %get3A_11 = arith.constant 0 : index
    %get3A_12 = arith.constant 0 : index
    %get3A_13 = vector.load %arg3[%get3A_11, %get3A_12] : memref<1x256xf32, #tpu.memory_space<vmem>>, vector<1x256xf32>
    %mul3A = vector.broadcast %get3A_13 : vector<1x256xf32> to vector<256x256xf32>
    %mul3A_14 = arith.mulf %mul3A, %dot_general3A_7 : vector<256x256xf32>
    %add3A = vector.broadcast %get3A_10 : vector<1x256xf32> to vector<256x256xf32>
    %add3A_15 = arith.addf %add3A, %mul3A_14 : vector<256x256xf32>
    %tanh3A = math.tanh %add3A_15 : vector<256x256xf32>
    %swap3A = arith.constant 0 : index
    %swap3A_16 = arith.constant 0 : index
    %swap3A_17 = vector.load %arg4[%swap3A, %swap3A_16] : memref<256x256xf32, #tpu.memory_space<vmem>>, vector<256x256xf32>
    tpu.vector_store %arg4[%swap3A, %swap3A_16], %tanh3A {strides = array<i32>} : memref<256x256xf32, #tpu.memory_space<vmem>>, vector<256x256xf32>,
    return
  }
}

</mosaic_0001>

<sc_bundles>
// kernel: kernel.4.cloned.1.call-start
scs
__scs_entry_jumppad:
0x0: {  	(pc) =	sbr.rel $0x88, $3  }
0x1: {  	(tag) =	ssettag $0x0;
	lr =	simm.s32 $0x1  }
0x2: {  	[smem:$0x3F9B] =	sst lr;
	_ =	strace $0xD0000000  }
0x3: {  	_ = 	snop  }
0x4: {  	_ = 	snop  }
0x5: {  	_ = 	snop  }
0x6: {  	_ = 	snop  }
0x7: {  	_ = 	snop  }
__scs_overlays_trampoline_lowered:
0x8: {  	[smem:$0x3FAA] =	sst s0  }
0x9: {  	[smem:$0x3FAB] =	sst s1  }
0xa: {  	[smem:$0x3FAC] =	sst s2  }
0xb: {  	[smem:$0x3FAD] =	sst s3  }
0xc: {  	[smem:$0x3FAE] =	sst s4  }
0xd: {  	[smem:$0x3FAF] =	sst s5  }
0xe: {  	[smem:$0x3FB0] =	sst s6  }
0xf: {  	[smem:$0x3FB1] =	sst s7  }
0x10: {  	[smem:$0x3FB2] =	sst s8  }
0x11: {  	[smem:$0x3FB3] =	sst s9;
	s0 =	simm.s32 @!p0 $0x0  }
0x12: {  	s1 =	sld [smem:$0x3F99];
	s0 =	simm.s32 @p0 $0x1  }
0x13: {  	[smem:$0x3FB4] =	sst s0;
	s0 =	simm.s32 @!p1 $0x0  }
0x14: {  	s2 =	sld [smem:$0x3F98];
	s0 =	simm.s32 @p1 $0x1  }
0x15: {  	[smem:$0x3FB5] =	sst s0;
	s0 =	simm.s32 @!p2 $0x0  }
0x16: {  	s3 =	sld [smem:$0x3FDB];
	s0 =	simm.s32 @p2 $0x1  }
0x17: {  	s4 =	simm.s32 $0x1BF5;
	[smem:$0x3FB7] =	sst s0  }
0x18: {  	s0 =	sld [smem:$0x3F9A];
	_ =	swait.ge [sflag:s4], $0x0  }
0x19: {  	s7 =	sld [smem:$0x3F9B]  }
0x1a: {  	s8 =	sadd.s32 $0xFFFFE003, lr  }
0x1b: {  	s9 =	sadd.s32 $0xFFFFFEF7, lr;
	s5 =	simm.s32 $0xFFFFFFFF;
	p2 =	slt.u32 s8, $0xFFFFF086  }
0x1c: {  	p1 =	slt.u32 s9, $0xF7A;
	s5 =	simm.s32 @!p2 $0x0  }
0x1d: {  	s5 =	simm.s32 @p1 $0x1;
	p0 =	seq.s32 s7, s2  }
0x1e: {  	s7 =	smul.u32 @!p0 $0xF7A, s2;
	p2 =	seq.s32 @!p0 s5, $0x0  }
0x1f: {  	s9 =	smul.u32 $0xF7A, s1;
	s8 =	simm.s32 @!p0 $0x1BF5;
	p2 =	por !p2, p0  }
0x20: {  	[sflag:s8] =	ssyncset.s32 @!p0 $0xFFFFF086;
	s6 =	sadd.s32 @!p0 s3, s7;
	s7 =	simm.s32 @!p0 $0x108  }
0x21: {  	s3 =	sadd.s32 s3, s9;
	s6 =	sadd.s32 @!p0 $0x88, s6;
	s7 =	simm.s32 @p2 $0x1082  }
0x22: {  	[simem:s7], [sflag:s8] =	dma.local @!p0 [hbm:s6], $0xF7A  }
0x23: {  	s9 =	sor.u32 $0xD0000000, s2;
	s6 =	simm.s32 $0x108;
	_ =	swait.ge @!p0 [sflag:s8], $0x0  }
0x24: {  	s3 =	sadd.s32 $0x88, s3;
	s6 =	simm.s32 @!p1 $0x1082;
	[sflag:s4] =	ssyncset.s32 $0xFFFFF086  }
0x25: {  	[simem:s6], [sflag:s4] =	dma.local [hbm:s3], $0xF7A  }
0x26: {  	[smem:$0x3F9B] =	sst s1;
	(tag) =	ssettag s2;
	_ =	strace s9  }
0x27: {  	s1 =	sld [smem:$0x3FAB]  }
0x28: {  	s2 =	sld [smem:$0x3FAC]  }
0x29: {  	s4 =	sld [smem:$0x3FAE]  }
0x2a: {  	p0 =	seq.s32 s5, $0x0;
	s5 =	sld [smem:$0x3FAF]  }
0x2b: {  	s6 =	sld [smem:$0x3FB0]  }
0x2c: {  	s7 =	sld [smem:$0x3FB1]  }
0x2d: {  	s3 =	simm.s32 $0x108;
	s8 =	sld [smem:$0x3FB2]  }
0x2e: {  	s3 =	simm.s32 @!p0 $0x1082;
	s9 =	sld [smem:$0x3FB3]  }
0x2f: {  	lr =	sadd.s32 s0, s3;
	s0 =	sld [smem:$0x3FAA]  }
0x30: {  	s3 =	sld [smem:$0x3FAD]  }
0x31: {  	[smem:$0x3FB6] =	sst s10  }
0x32: {  	s10 =	sld [smem:$0x3FB4];
	_ =	sdelay $0x3  }
0x33: {  	p0 =	seq.s32 s10, $0x1;
	s10 =	sld [smem:$0x3FB6];
	_ =	sdelay $0x3  }
0x34: {  	[smem:$0x3FB6] =	sst s10  }
0x35: {  	s10 =	sld [smem:$0x3FB5];
	_ =	sdelay $0x3  }
0x36: {  	p1 =	seq.s32 s10, $0x1;
	s10 =	sld [smem:$0x3FB6];
	_ =	sdelay $0x3  }
0x37: {  	[smem:$0x3FB6] =	sst s10  }
0x38: {  	s10 =	sld [smem:$0x3FB7]  }
0x39: {  	_ = 	snop;
	(pc) =	sbr.ind lr, $3  }
0x3a: {  	_ = 	snop  }
0x3b: {  	_ = 	snop  }
0x3c: {  	p2 =	seq.s32 s10, $0x1;
	s10 =	sld [smem:$0x3FB6]  }
0x3d: {  	_ =	shalt  }
0x3e: {  	_ =	shalt  }
0x3f: {  	_ =	shalt  }
0x40: {  	_ =	shalt  }
0x41: {  	_ =	shalt  }
0x42: {  	_ =	shalt  }
0x43: {  	_ =	shalt  }
0x44: {  	_ =	shalt  }
0x45: {  	_ =	shalt  }
0x46: {  	_ =	shalt  }
0x47: {  	_ =	shalt  }
0x48: {  	_ =	shalt  }
0x49: {  	_ =	shalt  }
0x4a: {  	_ =	shalt  }
0x4b: {  	_ =	shalt  }
0x4c: {  	_ =	shalt  }
0x4d: {  	_ =	shalt  }
0x4e: {  	_ =	shalt  }
0x4f: {  	_ =	shalt  }
0x50: {  	_ =	shalt  }
0x51: {  	_ =	shalt  }
0x52: {  	_ =	shalt  }
0x53: {  	_ =	shalt  }
0x54: {  	_ =	shalt  }
0x55: {  	_ =	shalt  }
0x56: {  	_ =	shalt  }
0x57: {  	_ =	shalt  }
0x58: {  	_ =	shalt  }
0x59: {  	_ =	shalt  }
0x5a: {  	_ =	shalt  }
0x5b: {  	_ =	shalt  }
0x5c: {  	_ =	shalt  }
0x5d: {  	_ =	shalt  }
0x5e: {  	_ =	shalt  }
0x5f: {  	_ =	shalt  }
0x60: {  	_ =	shalt  }
0x61: {  	_ =	shalt  }
0x62: {  	_ =	shalt  }
0x63: {  	_ =	shalt  }
0x64: {  	_ =	shalt  }
0x65: {  	_ =	shalt  }
0x66: {  	_ =	shalt  }
0x67: {  	_ =	shalt  }
0x68: {  	_ =	shalt  }
0x69: {  	_ =	shalt  }
0x6a: {  	_ =	shalt  }
0x6b: {  	_ =	shalt  }
0x6c: {  	_ =	shalt  }
0x6d: {  	_ =	shalt  }
0x6e: {  	_ =	shalt  }
0x6f: {  	_ =	shalt  }
0x70: {  	_ =	shalt  }
0x71: {  	_ =	shalt  }
0x72: {  	_ =	shalt  }
0x73: {  	_ =	shalt  }
0x74: {  	_ =	shalt  }
0x75: {  	_ =	shalt  }
0x76: {  	_ =	shalt  }
0x77: {  	_ =	shalt  }
0x78: {  	_ =	shalt  }
0x79: {  	_ =	shalt  }
0x7a: {  	_ =	shalt  }
0x7b: {  	_ =	shalt  }
0x7c: {  	_ =	shalt  }
0x7d: {  	_ =	shalt  }
0x7e: {  	_ =	shalt  }
0x7f: {  	_ =	shalt  }
0x80: {  	_ =	shalt  }
0x81: {  	_ =	shalt  }
0x82: {  	_ =	shalt  }
0x83: {  	_ =	shalt  }
0x84: {  	_ =	shalt  }
0x85: {  	_ =	shalt  }
0x86: {  	_ =	shalt  }
0x87: {  	_ =	shalt  }
.Lfunc_end0:
.L_simem_size_0:
called_computation_lowered:
.L_overlay_start_0:
0x88: {  	s2 =	sld [smem:$0x3FD9]  }
0x89: {  	s3 =	sld [smem:$0x3FFE];
	_ =	sdelay $0x1  }
0x8a: {  	s1 =	srdreg.scid  }
0x8b: {  	s0 =	sand.u32 $0x1, s1  }
0x8c: {  	s16 =	sshll.u32 s0, $0xA;
	s2 =	sadd.s32 s3, s2  }
0x8d: {  	s2 =	sadd.s32 s2, s16  }
0x8e: {  	[smem:$0x3FC2] =	sst s2  }
0x8f: {  	_ = 	snop  }
0x90: {  	(tm) =	ssettm $0x1  }
0x91: {  	s17 =	sld [smem:$0x3FFB];
	_ =	sdelay $0x3  }
0x92: {  	_ =	strace s17  }
0x93: {  	s2 =	sld [smem:$0x3FFC];
	_ =	sdelay $0x3  }
0x94: {  	_ =	strace s2  }
0x95: {  	s2 =	sld [smem:$0x3FFD];
	_ =	sdelay $0x3  }
0x96: {  	_ =	strace s2  }
0x97: {  	_ =	strace $0x8FFFFFFF  }
0x98: {  	s18 =	sld [smem:$0x3FDB];
	_ =	sdelay $0x1  }
0x99: {  	s19 =	simm.s32 $_scs_section_size  }
0x9a: {  	s4 =	simm.s32 $_size__tile_overlayer_lowered;
	s5 =	simm.s32 $_tile_overlayer_lowered  }
0x9b: {  	s22 =	simm.s32 $0x1BFF;
	s21 =	sshll.u32 s5, $0x1;
	s2 =	sadd.s32 s19, s18  }
0x9c: {  	s6 =	simm.s32 $0x0;
	s20 =	sshll.u32 s4, $0x1;
	s4 =	sadd.s32 s21, s2  }
0x9d: {  	[timem:s6], [sflag:s22] =	dma.local [hbm:s4], s20  }
0x9e: {  	_ =	swait.ge [sflag:s22], s20  }
0x9f: {  	s3 =	ssub.s32 $0x0, s20;
	[sflag:s22] =	ssyncset.done $0x0  }
0xa0: {  	[sflag:s22] =	ssyncadd.s32 s3;
	_ =	sdelay $0x1  }
0xa1: {  	s23 =	simm.s32 $0x1B8B  }
0xa2: {  	_ =	swait.ge [sflag:s23], $0x1  }
0xa3: {  	[sflag:s23] =	ssyncset.done $0x0  }
0xa4: {  	s25 =	simm.s32 $0x1B8E;
	s24 =	sld [smem:$0x3FFE];
	[sflag:s23] =	ssyncadd.s32 $0xFFFFFFFF  }
0xa5: {  	s26 =	simm.s32 $execute0_lowered;
	[smem:$0x3FD2] =	sst s25  }
0xa6: {  	s4 =	sshll.u32 s26, $0x1;
	_ =	strace $0x80000046;
	[dreg:$0x1] =	wrdreg $0xFFFFFFFF  }
0xa7: {  	s28 =	simm.s32 $_size_execute0_lowered;
	s2 =	sadd.s32 s2, s4;
	[dreg:$0x0] =	wrdreg $0x0  }
0xa8: {  	s4 =	sshll.u32 s28, $0x1;
	[dreg:$0x2] =	wrdreg s2  }
0xa9: {  	[dreg:$0x3] =	wrdreg s4  }
0xaa: {  	[dreg:$0x4] =	wrdreg $0xC0  }
0xab: {  	_ =	task [dreg:s6], $0x5FFFF  }
0xac: {  	[dreg:$0x1] =	wrdreg $0xFFFFFFFF  }
0xad: {  	[dreg:$0x0] =	wrdreg $0x60  }
0xae: {  	[dreg:$0x2] =	wrdreg s24  }
0xaf: {  	[dreg:$0x3] =	wrdreg $0x9  }
0xb0: {  	_ =	task.clear_ibuf [dreg:s6], $0x4FFFF;
	_ =	strace $0x90000046  }
0xb1: {  	s29 =	simm.s32 $0x9;
	_ =	strace $0x80000048  }
0xb2: {  	_ =	swait.ge [sflag:s29], $0x1  }
0xb3: {  	[sflag:s29] =	ssyncadd.s32 $0xFFFFFFFF  }
0xb4: {  	_ =	strace $0x90000048  }
0xb5: {  	_ =	sfence  }
0xb6: {  	s30 =	sld [smem:$0x0];
	_ =	sdelay $0x2  }
0xb7: {  	s31 =	sshll.u32 s1, $0xD;
	s1 =	sshrl.u32 s1, $0x2  }
0xb8: {  	s3 =	sand.u32 $0x4000, s31;
	s1 =	sadd.s32 s1, s30  }
0xb9: {  	s0 =	sor.u32 s3, s0;
	s1 =	sshll.u32 s1, $0x11  }
0xba: {  	s0 =	sor.u32 s1, s0  }
0xbb: {  	s0 =	sadd.s32 $0x8F2B, s0  }
0xbc: {  	[sflag:s0] =	ssyncadd.remote.s32 $0x1  }
0xbd: {  	_ =	sfence.sel $0xFFFF  }
0xbe: {  	[dreg:$0x0] =	wrdreg $0xFFFFFFFF;
	(pc) =	sbr.abs _section_cstart, $3  }
0xbf: {  	[dreg:$0x1] =	wrdreg $0xFFFFFFFF  }
0xc0: {  	_ =	task.clear_ibuf [dreg:s6], $0x2FFFF;
	_ =	strace $0x9FFFFFFF  }
0xc1: {  	(tm) =	ssettm $0x7FFFFFFF  }
tec
execute0_lowered:
.L_overlay_start_1:
0x0: {  	(tag) =	ssettag $0x1  }
0x1: {  	s0 =	srdreg.scid  }
0x2: {  	s4 =	rddreg [dreg:$0x0];
	s1 =	stileid.u32  }
0x3: {  	s2 =	simm.s32 $0x0;
	s10 =	simm.s32 $0x1;
	s11 =	simm.s32 $0x2  }
0x4: {  	s12 =	simm.s32 $0x3;
	s13 =	simm.s32 $0x3C00;
	s14 =	simm.s32 $0x80  }
0x5: {  	s15 =	simm.s32 $0x400;
	s3 =	sand.u32 $0x1, s0;
	s0 =	rddreg [dreg:$0x1]  }
0x6: {  	s16 =	simm.s32 $0x4;
	s17 =	simm.s32 $0x0;
	[smem:$0x7FF] =	sst s2  }
0x7: {  	s7 =	sshll.u32 s1, $0x4;
	s5 =	sshll.u32 s3, $0x4;
	_ =	strace $0x80000047  }
0x8: {  	s7 =	sand.u32 $0x70, s7;
	s3 =	ssub.s32 $0x2, s3;
	s5 =	sor.u32 s1, s5  }
0x9: {  	s30 =	sshrl.u32 s3, $0x1;
	s6 =	smul.u32 $0x280, s5;
	s5 =	sshll.u32 s5, $0xC  }
0xa: {  	s7 =	sadd.s32 s7, s4;
	s8 =	ssub.s32 s3, s30;
	s9 =	sand.u32 $0x18000, s5  }
0xb: {  	s6 =	sadd.s32 s6, s4;
	s31 =	sadd.s32 s9, s7;
	s7 =	smax.u32 s8, $0x1  }
0xc: {  	s8 =	simm.s32 $0x1400;
	s9 =	simm.s32 $0x2800;
	s3 =	sadd.s32 $0x600, s6  }
0xd: {  	v0 =	vimm.f32 $0.0e+00;
	s4 =	sadd.s32 $0x5600, s6;
	s5 =	sadd.s32 $0xA600, s6;
	s6 =	sadd.s32 $0xF600, s31  }
.LBB2_1:
0xe: {  	[tilespmem:s2], [sflag:$0x1] =	stream.linear.gather [hbm4b:s3+s2], $0x1400, $0x38;
	[tilespmem:$0xBC00] =	vst v63  }
0xf: {  	_ = 	snop  }
0x10: {  	[tilespmem:s8], [sflag:$0x2] =	stream.linear.gather [hbm4b:s4+s2], $0x1400, $0x38;
	[tilespmem:$0xBC00] =	vst v63  }
0x11: {  	s18 =	simm.s32 $0x40;
	s19 =	simm.s32 $0x0  }
0x12: {  	[tilespmem:s9], [sflag:$0x3] =	stream.linear.gather [hbm4b:s5+s2], $0x1400, $0x38;
	[tilespmem:$0xBC00] =	vst v63  }
.LBB2_2:
0x13: {  	p0 =	sne.s32 s18, $0x1FFC0;
	[tilespmem:s19+$0x3C00] =	vst v0;
	s19 =	smov.u32 s18;
	s18 =	sadd.s32 $0x40, s18  }
.Ltmp0:
0x14: {  	(pc) =	sbr.rel @p0 .LBB2_2-.Ltmp0, $2  }
0x15: {  	_ =	sdelay $0x2  }
0x16: {  	s19 =	sshra.s32 s19, $0x2  }
0x17: {  	[tilespmem:s19+$0x3C00] =	vst v0  }
0x18: {  	_ =	swait.ge [sflag:s10], $0x1400  }
0x19: {  	[sflag:s10] =	ssyncset.done $0x0  }
0x1a: {  	[sflag:s10] =	ssyncadd.s32 $0xFFFFEC00  }
0x1b: {  	_ =	swait.ge [sflag:s11], $0x1400  }
0x1c: {  	[sflag:s11] =	ssyncset.done $0x0  }
0x1d: {  	[sflag:s11] =	ssyncadd.s32 $0xFFFFEC00  }
0x1e: {  	_ =	swait.ge [sflag:s12], $0x1400  }
0x1f: {  	[sflag:s12] =	ssyncset.done $0x0  }
0x20: {  	s18 =	simm.s32 $0x0;
	[sflag:s12] =	ssyncadd.s32 $0xFFFFEC00  }
.LBB2_4:
0x21: {  	s19 =	sshra.s32 s18, $0x2  }
0x22: {  	v1 =	vld [tilespmem:s19+$0x0]  }
0x23: {  	v2 =	vld [tilespmem:s19+$0x1400];
	_ =	sdelay $0x4  }
0x24: {  	vm0 =	vlt.s32 v1, $0x80;
	vm1 =	vlt.s32 v2, $0x100  }
0x25: {  	v2 =	vshll.u32 v2, $0x7;
	vm0 =	vmand vm0, vm1  }
0x26: {  	v3 =	vld [tilespmem:s19+$0x2800];
	v1 =	vadd.s32 v1, v2;
	_ =	sdelay $0x4  }
0x27: {  	[tilespmem:v1+s13+$0x0] =	vst.idx.add.f32.msk vm0, v3  }
0x28: {  	v1 =	vld [tilespmem:s19+$0x10]  }
0x29: {  	v2 =	vld [tilespmem:s19+$0x1410];
	_ =	sdelay $0x4  }
0x2a: {  	vm14 =	vlt.s32 v1, $0x80;
	vm15 =	vlt.s32 v2, $0x100  }
0x2b: {  	v2 =	vshll.u32 v2, $0x7;
	vm0 =	vmand vm14, vm15  }
0x2c: {  	v3 =	vld [tilespmem:s19+$0x2810];
	v1 =	vadd.s32 v1, v2;
	_ =	sdelay $0x4  }
0x2d: {  	[tilespmem:v1+s13+$0x0] =	vst.idx.add.f32.msk vm0, v3  }
0x2e: {  	v1 =	vld [tilespmem:s19+$0x20]  }
0x2f: {  	v2 =	vld [tilespmem:s19+$0x1420];
	_ =	sdelay $0x4  }
0x30: {  	vm4 =	vlt.s32 v1, $0x80;
	vm5 =	vlt.s32 v2, $0x100  }
0x31: {  	v2 =	vshll.u32 v2, $0x7;
	vm0 =	vmand vm4, vm5  }
0x32: {  	v3 =	vld [tilespmem:s19+$0x2820];
	v1 =	vadd.s32 v1, v2;
	_ =	sdelay $0x4  }
0x33: {  	[tilespmem:v1+s13+$0x0] =	vst.idx.add.f32.msk vm0, v3  }
0x34: {  	v1 =	vld [tilespmem:s19+$0x30]  }
0x35: {  	v2 =	vld [tilespmem:s19+$0x1430];
	_ =	sdelay $0x4  }
0x36: {  	vm6 =	vlt.s32 v1, $0x80;
	vm7 =	vlt.s32 v2, $0x100  }
0x37: {  	v2 =	vshll.u32 v2, $0x7;
	vm0 =	vmand vm6, vm7  }
0x38: {  	v3 =	vld [tilespmem:s19+$0x2830];
	v1 =	vadd.s32 v1, v2;
	_ =	sdelay $0x4  }
0x39: {  	[tilespmem:v1+s13+$0x0] =	vst.idx.add.f32.msk vm0, v3  }
0x3a: {  	v1 =	vld [tilespmem:s19+$0x40]  }
0x3b: {  	v2 =	vld [tilespmem:s19+$0x1440];
	_ =	sdelay $0x4  }
0x3c: {  	vm8 =	vlt.s32 v1, $0x80;
	vm9 =	vlt.s32 v2, $0x100  }
0x3d: {  	v2 =	vshll.u32 v2, $0x7;
	vm0 =	vmand vm8, vm9  }
0x3e: {  	v3 =	vld [tilespmem:s19+$0x2840];
	v1 =	vadd.s32 v1, v2;
	_ =	sdelay $0x4  }
0x3f: {  	[tilespmem:v1+s13+$0x0] =	vst.idx.add.f32.msk vm0, v3  }
0x40: {  	v1 =	vld [tilespmem:s19+$0x50]  }
0x41: {  	v2 =	vld [tilespmem:s19+$0x1450];
	_ =	sdelay $0x4  }
0x42: {  	vm10 =	vlt.s32 v1, $0x80;
	vm11 =	vlt.s32 v2, $0x100  }
0x43: {  	v2 =	vshll.u32 v2, $0x7;
	vm0 =	vmand vm10, vm11  }
0x44: {  	v3 =	vld [tilespmem:s19+$0x2850];
	v1 =	vadd.s32 v1, v2;
	_ =	sdelay $0x4  }
0x45: {  	[tilespmem:v1+s13+$0x0] =	vst.idx.add.f32.msk vm0, v3  }
0x46: {  	v1 =	vld [tilespmem:s19+$0x60]  }
0x47: {  	v2 =	vld [tilespmem:s19+$0x1460];
	_ =	sdelay $0x4  }
0x48: {  	vm12 =	vlt.s32 v1, $0x80;
	vm13 =	vlt.s32 v2, $0x100  }
0x49: {  	v2 =	vshll.u32 v2, $0x7;
	vm0 =	vmand vm12, vm13  }
0x4a: {  	v3 =	vld [tilespmem:s19+$0x2860];
	v1 =	vadd.s32 v1, v2;
	_ =	sdelay $0x4  }
0x4b: {  	[tilespmem:v1+s13+$0x0] =	vst.idx.add.f32.msk vm0, v3  }
0x4c: {  	v1 =	vld [tilespmem:s19+$0x70]  }
0x4d: {  	v2 =	vld [tilespmem:s19+$0x1470];
	_ =	sdelay $0x4  }
0x4e: {  	vm14 =	vlt.s32 v1, $0x80;
	vm15 =	vlt.s32 v2, $0x100  }
0x4f: {  	v2 =	vshll.u32 v2, $0x7;
	vm0 =	vmand vm14, vm15  }
0x50: {  	p0 =	sne.s32 s18, $0x4E00;
	v3 =	vld [tilespmem:s19+$0x2870];
	v1 =	vadd.s32 v1, v2  }
.Ltmp1:
0x51: {  	_ = 	snop;
	(pc) =	sbr.rel @p0 .LBB2_4-.Ltmp1, $2  }
0x52: {  	_ =	sdelay $0x2  }
0x53: {  	s18 =	sadd.s32 $0x200, s18;
	[tilespmem:v1+s13+$0x0] =	vst.idx.add.f32.msk vm0, v3  }
0x54: {  	s17 =	sadd.s32 $0x1, s17  }
0x55: {  	p0 =	sne.s32 s17, s7  }
.Ltmp2:
0x56: {  	_ = 	snop;
	(pc) =	sbr.rel @p0 .LBB2_1-.Ltmp2, $4  }
0x57: {  	[hbm4b:s6+s14] =	stream.strided.scatter [tilespmem:s13], [sflag:$0x4], $0x8000, s15, s14, $0x38;
	[tilespmem:$0xBC00] =	vst v63  }
0x58: {  	_ =	swait.ge [sflag:s16], $0x8000  }
0x59: {  	[sflag:s16] =	ssyncset.done $0x0  }
0x5a: {  	[sflag:s16] =	ssyncadd.s32 $0xFFFF8000  }
0x5b: {  	_ =	sfence.sel $0x180000  }
0x5c: {  	[bflag:$0x0] =	sbarrier.arrive $0xFFFF  }
0x5d: {  	p0 =	sne.s32 s1, $0x0;
	_ =	strace $0x90000047  }
0x5e: {  	s0 =	sadd.s32 @!p0 $0x100000, s0;
	[bflag:$0x2] =	sbarrier.arrive $0xFFFF  }
0x5f: {  	[sflag:s0] =	ssyncadd.tile.s32 @!p0 $0x1;
	_ =	shalt  }
.Lfunc_end2:
_tile_overlayer_lowered:
.L_overlay_start_2:
0x60: {  	(tag) =	ssettag $0x2  }
0x61: {  	s0 =	rddreg [dreg:$0x0];
	s2 =	stileid.u32  }
0x62: {  	s1 =	rddreg [dreg:$0x1];
	p0 =	sne.s32 s2, $0x0  }
0x63: {  	s3 =	rddreg [dreg:$0x2];
	[bflag:$0x3] =	sbarrier.arrive $0xFFFF;
	s2 =	simm.s32 @!p0 $0x1C04  }
0x64: {  	[timem:s3], [sflag:s2] =	dma.local @!p0 [hbm:s0], s1  }
0x65: {  	s0 =	simm.s32 @!p0 $0x4  }
0x66: {  	_ =	swait.ge @!p0 [sflag:s0], s1  }
0x67: {  	s1 =	ssub.s32 @!p0 $0x0, s1;
	[sflag:s0] =	ssyncset.done @!p0 $0x0  }
0x68: {  	[sflag:s0] =	ssyncadd.s32 @!p0 s1  }
0x69: {  	[bflag:$0x3] =	sbarrier.arrive $0xFFFF  }
0x6a: {  	_ =	shalt  }

</sc_bundles>
